<compile_context>
chip_gen: v7x
topology: tpu7x:2x2x1
jax: 0.10.2.dev20260603
libtpu: 0.0.44.dev20260713+nightly
codegen_flags: <defaults>
</compile_context>

<pallas_src>
import functools

import jax
import jax.numpy as jnp
from jax import lax
from jax.experimental import pallas as pl
from jax.experimental.pallas import tpu as pltpu
from jax.experimental.pallas import tpu_sc as plsc

_B, _C, _H, _W = 8, 192, 224, 224
_ROWS = _B * _C
_D = _H * _W
_NC, _NS = 2, 16
_NW = _NC * _NS
_RPW = _ROWS // _NW

_mesh = plsc.VectorSubcoreMesh(core_axis_name="c", subcore_axis_name="s")

_SPLIT = 2
_CH = _D // _SPLIT
_NBUF = 4
_T = _RPW * _SPLIT


@functools.partial(
    pl.kernel,
    mesh=_mesh,
    out_type=jax.ShapeDtypeStruct((_ROWS, _D), jnp.float32),
    scratch_types=[
        pltpu.VMEM_SHARED((_NS, _NBUF, _CH), jnp.float32),
        pltpu.SemaphoreType.DMA((_NBUF,)),
        pltpu.SemaphoreType.DMA((_NBUF,)),
    ],
)
def _reverse_rows(in_hbm, out_hbm, shared, in_sems, out_sems):
    cid = lax.axis_index("c")
    sid = lax.axis_index("s")
    wid = sid * _NC + cid
    base = wid * _RPW
    bufs = shared.at[sid]

    def src_slice(i):
        r = base + i // _SPLIT
        k = lax.rem(i, _SPLIT)
        b = r // _C
        c = lax.rem(r, _C)
        src = b * _C + (_C - 1 - c)
        return in_hbm.at[src, pl.ds(k * _CH, _CH)]

    def dst_slice(i):
        r = base + i // _SPLIT
        k = lax.rem(i, _SPLIT)
        return out_hbm.at[r, pl.ds(k * _CH, _CH)]

    def start_in(i):
        slot = lax.rem(i, _NBUF)
        pltpu.async_copy(src_slice(i), bufs.at[slot], in_sems.at[slot])

    def wait_in(i):
        slot = lax.rem(i, _NBUF)
        pltpu.make_async_copy(src_slice(i), bufs.at[slot],
                              in_sems.at[slot]).wait()

    def start_out(i):
        slot = lax.rem(i, _NBUF)
        pltpu.async_copy(bufs.at[slot], dst_slice(i), out_sems.at[slot])

    def wait_out(i):
        slot = lax.rem(i, _NBUF)
        pltpu.make_async_copy(bufs.at[slot], dst_slice(i),
                              out_sems.at[slot]).wait()

    for j in range(_NBUF - 1):
        start_in(j)

    def body(i, carry):
        wait_in(i)
        start_out(i)
        pl.when(jnp.logical_and(i >= 1, i + _NBUF - 1 < _T))(
            lambda: wait_out(i - 1))
        pl.when(i + _NBUF - 1 < _T)(lambda: start_in(i + _NBUF - 1))
        return carry

    lax.fori_loop(0, _T, body, 0)
    for j in range(_T - _NBUF, _T):
        wait_out(j)


def kernel(input):
    x = input.reshape(_ROWS, _D)
    y = _reverse_rows(x)
    return y.reshape(_B, _C, _H, _W)

# --- scband reference (transcript-rebuilt; emitter-appended) ---
"""Pipeline reference for scband-permute2d-76914274336799 (READ-ONLY COPY).

The authoritative reference and input builder live on the scoring server;
editing this copy changes nothing except your own understanding.
"""

import jax, jax.numpy as jnp
import numpy as np

NUM_CHANNELS = 192


def setup_inputs(seed: int = 0) -> dict:
    key = jax.random.key(seed)
    x = jax.random.normal(key, (8, NUM_CHANNELS, 224, 224), dtype=jnp.float32)
    return {"input": x}


def reference(input):
    # Permute2d with shuffle=False: indices = arange(C-1, -1, -1) (channel reversal)
    # forward(input, reverse=False) -> input[:, indices, :, :]
    indices = jnp.arange(NUM_CHANNELS - 1, -1, -1, dtype=jnp.int32)
    return jnp.take(input, indices, axis=1)

if __name__ == "__main__":
    import jax
    _d = setup_inputs()
    print(jax.jit(kernel)(*tuple(_d.values())))

</pallas_src>

<mosaic_0001>
#map = affine_map<(d0, d1) -> (0, 0)>
module attributes {stable_mosaic.version = 14 : i64} {
  func.func @_reverse_rows(%arg0: i32, %arg1: i32, %arg2: memref<1536x50176xf32, #tpu.memory_space<hbm>>, %arg3: memref<1536x50176xf32, #tpu.memory_space<hbm>>, %arg4: memref<16x4x25088xf32, #tpu.memory_space<vmem_shared>>, %arg5: memref<4x!tpu.dma_semaphore, #tpu.memory_space<semaphore_mem>>, %arg6: memref<4x!tpu.dma_semaphore, #tpu.memory_space<semaphore_mem>>) attributes {dimension_semantics = [#tpu.dimension_semantics<core_parallel>, #tpu.dimension_semantics<subcore_parallel>], iteration_bounds = array<i64: 2, 16>, scalar_prefetch = 0 : i64, scratch_operands = 3 : i64, tpu.core_type = #tpu.core_type<sc_vector_subcore>, window_params = [{transform_indices = #map}, {transform_indices = #map}]} {
    %mul3A = arith.constant 2 : i32
    %mul3A_0 = arith.muli %arg1, %mul3A : i32
    %add3A = arith.addi %mul3A_0, %arg0 : i32
    %mul3A_1 = arith.constant 48 : i32
    %mul3A_2 = arith.muli %add3A, %mul3A_1 : i32
    %rem3A = arith.constant 0 : i32
    %rem3A_3 = arith.constant 4 : i32
    %rem3A_4 = arith.remsi %rem3A, %rem3A_3 : i32
    %add3A_5 = arith.constant 0 : i32
    %add3A_6 = arith.addi %mul3A_2, %add3A_5 : i32
    %rem3A_7 = arith.constant 0 : i32
    %rem3A_8 = arith.constant 2 : i32
    %rem3A_9 = arith.remsi %rem3A_7, %rem3A_8 : i32
    %jit3A = arith.constant 192 : i32
    %div3A = arith.divsi %add3A_6, %jit3A : i32
    %sign3A = arith.constant 0 : i32
    %sign3A_10 = arith.cmpi sgt, %add3A_6, %sign3A : i32
    %sign3A_11 = arith.extui %sign3A_10 : i1 to i32
    %sign3A_12 = arith.constant 0 : i32
    %sign3A_13 = arith.cmpi slt, %add3A_6, %sign3A_12 : i32
    %sign3A_14 = arith.extui %sign3A_13 : i1 to i32
    %sign3A_15 = arith.subi %sign3A_11, %sign3A_14 : i32
    %sign3A_16 = arith.constant 0 : i32
    %sign3A_17 = arith.cmpi sgt, %jit3A, %sign3A_16 : i32
    %sign3A_18 = arith.extui %sign3A_17 : i1 to i32
    %sign3A_19 = arith.constant 0 : i32
    %sign3A_20 = arith.cmpi slt, %jit3A, %sign3A_19 : i32
    %sign3A_21 = arith.extui %sign3A_20 : i1 to i32
    %sign3A_22 = arith.subi %sign3A_18, %sign3A_21 : i32
    %ne3A = arith.cmpi ne, %sign3A_15, %sign3A_22 : i32
    %rem3A_23 = arith.remsi %add3A_6, %jit3A : i32
    %ne3A_24 = arith.constant 0 : i32
    %ne3A_25 = arith.cmpi ne, %rem3A_23, %ne3A_24 : i32
    %and3A = arith.andi %ne3A, %ne3A_25 : i1
    %sub3A = arith.constant 1 : i32
    %sub3A_26 = arith.subi %div3A, %sub3A : i32
    %select_n3A = arith.select %and3A, %sub3A_26, %div3A : i32
    %rem3A_27 = arith.constant 192 : i32
    %rem3A_28 = arith.remsi %add3A_6, %rem3A_27 : i32
    %mul3A_29 = arith.constant 192 : i32
    %mul3A_30 = arith.muli %select_n3A, %mul3A_29 : i32
    %sub3A_31 = arith.constant 191 : i32
    %sub3A_32 = arith.subi %sub3A_31, %rem3A_28 : i32
    %add3A_33 = arith.addi %mul3A_30, %sub3A_32 : i32
    %mul3A_34 = arith.constant 25088 : i32
    %mul3A_35 = arith.muli %rem3A_9, %mul3A_34 : i32
    %dma_start3A = tpu.memref_slice %arg5[%rem3A_4] : memref<4x!tpu.dma_semaphore, #tpu.memory_space<semaphore_mem>> -> memref<1x!tpu.dma_semaphore, #tpu.memory_space<semaphore_mem>>
    %dma_start3A_36 = tpu.memref_squeeze %dma_start3A : memref<1x!tpu.dma_semaphore, #tpu.memory_space<semaphore_mem>> -> memref<!tpu.dma_semaphore, #tpu.memory_space<semaphore_mem>>
    %dma_start3A_37 = arith.constant 0 : i32
    %dma_start3A_38 = arith.constant 0 : i32
    %dma_start3A_39 = tpu.memref_slice %arg4[%arg1, %dma_start3A_37, %dma_start3A_38] : memref<16x4x25088xf32, #tpu.memory_space<vmem_shared>> -> memref<1x4x25088xf32, #tpu.memory_space<vmem_shared>>
    %dma_start3A_40 = tpu.memref_squeeze %dma_start3A_39 : memref<1x4x25088xf32, #tpu.memory_space<vmem_shared>> -> memref<4x25088xf32, #tpu.memory_space<vmem_shared>>
    %dma_start3A_41 = arith.constant 0 : i32
    %dma_start3A_42 = tpu.memref_slice %dma_start3A_40[%rem3A_4, %dma_start3A_41] : memref<4x25088xf32, #tpu.memory_space<vmem_shared>> -> memref<1x25088xf32, #tpu.memory_space<vmem_shared>>
    %dma_start3A_43 = tpu.memref_squeeze %dma_start3A_42 : memref<1x25088xf32, #tpu.memory_space<vmem_shared>> -> memref<25088xf32, #tpu.memory_space<vmem_shared>>
    %dma_start3A_44 = tpu.memref_slice %arg2[%add3A_33, %mul3A_35] : memref<1536x50176xf32, #tpu.memory_space<hbm>> -> memref<1x25088xf32, #tpu.memory_space<hbm>>
    %dma_start3A_45 = tpu.memref_squeeze %dma_start3A_44 : memref<1x25088xf32, #tpu.memory_space<hbm>> -> memref<25088xf32, #tpu.memory_space<hbm>>
    tpu.enqueue_dma source(%dma_start3A_45 : memref<25088xf32, #tpu.memory_space<hbm>>) target(%dma_start3A_43 : memref<25088xf32, #tpu.memory_space<vmem_shared>>) target_semaphore(%dma_start3A_36 : memref<!tpu.dma_semaphore, #tpu.memory_space<semaphore_mem>>)
    %rem3A_46 = arith.constant 1 : i32
    %rem3A_47 = arith.constant 4 : i32
    %rem3A_48 = arith.remsi %rem3A_46, %rem3A_47 : i32
    %add3A_49 = arith.constant 0 : i32
    %add3A_50 = arith.addi %mul3A_2, %add3A_49 : i32
    %rem3A_51 = arith.constant 1 : i32
    %rem3A_52 = arith.constant 2 : i32
    %rem3A_53 = arith.remsi %rem3A_51, %rem3A_52 : i32
    %jit3A_54 = arith.constant 192 : i32
    %div3A_55 = arith.divsi %add3A_50, %jit3A_54 : i32
    %sign3A_56 = arith.constant 0 : i32
    %sign3A_57 = arith.cmpi sgt, %add3A_50, %sign3A_56 : i32
    %sign3A_58 = arith.extui %sign3A_57 : i1 to i32
    %sign3A_59 = arith.constant 0 : i32
    %sign3A_60 = arith.cmpi slt, %add3A_50, %sign3A_59 : i32
    %sign3A_61 = arith.extui %sign3A_60 : i1 to i32
    %sign3A_62 = arith.subi %sign3A_58, %sign3A_61 : i32
    %sign3A_63 = arith.constant 0 : i32
    %sign3A_64 = arith.cmpi sgt, %jit3A_54, %sign3A_63 : i32
    %sign3A_65 = arith.extui %sign3A_64 : i1 to i32
    %sign3A_66 = arith.constant 0 : i32
    %sign3A_67 = arith.cmpi slt, %jit3A_54, %sign3A_66 : i32
    %sign3A_68 = arith.extui %sign3A_67 : i1 to i32
    %sign3A_69 = arith.subi %sign3A_65, %sign3A_68 : i32
    %ne3A_70 = arith.cmpi ne, %sign3A_62, %sign3A_69 : i32
    %rem3A_71 = arith.remsi %add3A_50, %jit3A_54 : i32
    %ne3A_72 = arith.constant 0 : i32
    %ne3A_73 = arith.cmpi ne, %rem3A_71, %ne3A_72 : i32
    %and3A_74 = arith.andi %ne3A_70, %ne3A_73 : i1
    %sub3A_75 = arith.constant 1 : i32
    %sub3A_76 = arith.subi %div3A_55, %sub3A_75 : i32
    %select_n3A_77 = arith.select %and3A_74, %sub3A_76, %div3A_55 : i32
    %rem3A_78 = arith.constant 192 : i32
    %rem3A_79 = arith.remsi %add3A_50, %rem3A_78 : i32
    %mul3A_80 = arith.constant 192 : i32
    %mul3A_81 = arith.muli %select_n3A_77, %mul3A_80 : i32
    %sub3A_82 = arith.constant 191 : i32
    %sub3A_83 = arith.subi %sub3A_82, %rem3A_79 : i32
    %add3A_84 = arith.addi %mul3A_81, %sub3A_83 : i32
    %mul3A_85 = arith.constant 25088 : i32
    %mul3A_86 = arith.muli %rem3A_53, %mul3A_85 : i32
    %dma_start3A_87 = tpu.memref_slice %arg5[%rem3A_48] : memref<4x!tpu.dma_semaphore, #tpu.memory_space<semaphore_mem>> -> memref<1x!tpu.dma_semaphore, #tpu.memory_space<semaphore_mem>>
    %dma_start3A_88 = tpu.memref_squeeze %dma_start3A_87 : memref<1x!tpu.dma_semaphore, #tpu.memory_space<semaphore_mem>> -> memref<!tpu.dma_semaphore, #tpu.memory_space<semaphore_mem>>
    %dma_start3A_89 = arith.constant 0 : i32
    %dma_start3A_90 = arith.constant 0 : i32
    %dma_start3A_91 = tpu.memref_slice %arg4[%arg1, %dma_start3A_89, %dma_start3A_90] : memref<16x4x25088xf32, #tpu.memory_space<vmem_shared>> -> memref<1x4x25088xf32, #tpu.memory_space<vmem_shared>>
    %dma_start3A_92 = tpu.memref_squeeze %dma_start3A_91 : memref<1x4x25088xf32, #tpu.memory_space<vmem_shared>> -> memref<4x25088xf32, #tpu.memory_space<vmem_shared>>
    %dma_start3A_93 = arith.constant 0 : i32
    %dma_start3A_94 = tpu.memref_slice %dma_start3A_92[%rem3A_48, %dma_start3A_93] : memref<4x25088xf32, #tpu.memory_space<vmem_shared>> -> memref<1x25088xf32, #tpu.memory_space<vmem_shared>>
    %dma_start3A_95 = tpu.memref_squeeze %dma_start3A_94 : memref<1x25088xf32, #tpu.memory_space<vmem_shared>> -> memref<25088xf32, #tpu.memory_space<vmem_shared>>
    %dma_start3A_96 = tpu.memref_slice %arg2[%add3A_84, %mul3A_86] : memref<1536x50176xf32, #tpu.memory_space<hbm>> -> memref<1x25088xf32, #tpu.memory_space<hbm>>
    %dma_start3A_97 = tpu.memref_squeeze %dma_start3A_96 : memref<1x25088xf32, #tpu.memory_space<hbm>> -> memref<25088xf32, #tpu.memory_space<hbm>>
    tpu.enqueue_dma source(%dma_start3A_97 : memref<25088xf32, #tpu.memory_space<hbm>>) target(%dma_start3A_95 : memref<25088xf32, #tpu.memory_space<vmem_shared>>) target_semaphore(%dma_start3A_88 : memref<!tpu.dma_semaphore, #tpu.memory_space<semaphore_mem>>)
    %rem3A_98 = arith.constant 2 : i32
    %rem3A_99 = arith.constant 4 : i32
    %rem3A_100 = arith.remsi %rem3A_98, %rem3A_99 : i32
    %add3A_101 = arith.constant 1 : i32
    %add3A_102 = arith.addi %mul3A_2, %add3A_101 : i32
    %rem3A_103 = arith.constant 2 : i32
    %rem3A_104 = arith.constant 2 : i32
    %rem3A_105 = arith.remsi %rem3A_103, %rem3A_104 : i32
    %jit3A_106 = arith.constant 192 : i32
    %div3A_107 = arith.divsi %add3A_102, %jit3A_106 : i32
    %sign3A_108 = arith.constant 0 : i32
    %sign3A_109 = arith.cmpi sgt, %add3A_102, %sign3A_108 : i32
    %sign3A_110 = arith.extui %sign3A_109 : i1 to i32
    %sign3A_111 = arith.constant 0 : i32
    %sign3A_112 = arith.cmpi slt, %add3A_102, %sign3A_111 : i32
    %sign3A_113 = arith.extui %sign3A_112 : i1 to i32
    %sign3A_114 = arith.subi %sign3A_110, %sign3A_113 : i32
    %sign3A_115 = arith.constant 0 : i32
    %sign3A_116 = arith.cmpi sgt, %jit3A_106, %sign3A_115 : i32
    %sign3A_117 = arith.extui %sign3A_116 : i1 to i32
    %sign3A_118 = arith.constant 0 : i32
    %sign3A_119 = arith.cmpi slt, %jit3A_106, %sign3A_118 : i32
    %sign3A_120 = arith.extui %sign3A_119 : i1 to i32
    %sign3A_121 = arith.subi %sign3A_117, %sign3A_120 : i32
    %ne3A_122 = arith.cmpi ne, %sign3A_114, %sign3A_121 : i32
    %rem3A_123 = arith.remsi %add3A_102, %jit3A_106 : i32
    %ne3A_124 = arith.constant 0 : i32
    %ne3A_125 = arith.cmpi ne, %rem3A_123, %ne3A_124 : i32
    %and3A_126 = arith.andi %ne3A_122, %ne3A_125 : i1
    %sub3A_127 = arith.constant 1 : i32
    %sub3A_128 = arith.subi %div3A_107, %sub3A_127 : i32
    %select_n3A_129 = arith.select %and3A_126, %sub3A_128, %div3A_107 : i32
    %rem3A_130 = arith.constant 192 : i32
    %rem3A_131 = arith.remsi %add3A_102, %rem3A_130 : i32
    %mul3A_132 = arith.constant 192 : i32
    %mul3A_133 = arith.muli %select_n3A_129, %mul3A_132 : i32
    %sub3A_134 = arith.constant 191 : i32
    %sub3A_135 = arith.subi %sub3A_134, %rem3A_131 : i32
    %add3A_136 = arith.addi %mul3A_133, %sub3A_135 : i32
    %mul3A_137 = arith.constant 25088 : i32
    %mul3A_138 = arith.muli %rem3A_105, %mul3A_137 : i32
    %dma_start3A_139 = tpu.memref_slice %arg5[%rem3A_100] : memref<4x!tpu.dma_semaphore, #tpu.memory_space<semaphore_mem>> -> memref<1x!tpu.dma_semaphore, #tpu.memory_space<semaphore_mem>>
    %dma_start3A_140 = tpu.memref_squeeze %dma_start3A_139 : memref<1x!tpu.dma_semaphore, #tpu.memory_space<semaphore_mem>> -> memref<!tpu.dma_semaphore, #tpu.memory_space<semaphore_mem>>
    %dma_start3A_141 = arith.constant 0 : i32
    %dma_start3A_142 = arith.constant 0 : i32
    %dma_start3A_143 = tpu.memref_slice %arg4[%arg1, %dma_start3A_141, %dma_start3A_142] : memref<16x4x25088xf32, #tpu.memory_space<vmem_shared>> -> memref<1x4x25088xf32, #tpu.memory_space<vmem_shared>>
    %dma_start3A_144 = tpu.memref_squeeze %dma_start3A_143 : memref<1x4x25088xf32, #tpu.memory_space<vmem_shared>> -> memref<4x25088xf32, #tpu.memory_space<vmem_shared>>
    %dma_start3A_145 = arith.constant 0 : i32
    %dma_start3A_146 = tpu.memref_slice %dma_start3A_144[%rem3A_100, %dma_start3A_145] : memref<4x25088xf32, #tpu.memory_space<vmem_shared>> -> memref<1x25088xf32, #tpu.memory_space<vmem_shared>>
    %dma_start3A_147 = tpu.memref_squeeze %dma_start3A_146 : memref<1x25088xf32, #tpu.memory_space<vmem_shared>> -> memref<25088xf32, #tpu.memory_space<vmem_shared>>
    %dma_start3A_148 = tpu.memref_slice %arg2[%add3A_136, %mul3A_138] : memref<1536x50176xf32, #tpu.memory_space<hbm>> -> memref<1x25088xf32, #tpu.memory_space<hbm>>
    %dma_start3A_149 = tpu.memref_squeeze %dma_start3A_148 : memref<1x25088xf32, #tpu.memory_space<hbm>> -> memref<25088xf32, #tpu.memory_space<hbm>>
    tpu.enqueue_dma source(%dma_start3A_149 : memref<25088xf32, #tpu.memory_space<hbm>>) target(%dma_start3A_147 : memref<25088xf32, #tpu.memory_space<vmem_shared>>) target_semaphore(%dma_start3A_140 : memref<!tpu.dma_semaphore, #tpu.memory_space<semaphore_mem>>)
    %scan3A = arith.constant 0 : i32
    %scan3A_150 = arith.constant 0 : i32
    %scan3A_151 = arith.constant 96 : i32
    %scan3A_152 = arith.addi %scan3A_150, %scan3A_151 : i32
    %scan3A_153 = arith.constant 1 : i32
    scf.for %scan3A_238 = %scan3A_150 to %scan3A_152 step %scan3A_153  : i32 {
      %rem3A_239 = arith.constant 4 : i32
      %rem3A_240 = arith.remsi %scan3A_238, %rem3A_239 : i32
      %jit3A_241 = arith.constant 2 : i32
      %div3A_242 = arith.divsi %scan3A_238, %jit3A_241 : i32
      %sign3A_243 = arith.constant 0 : i32
      %sign3A_244 = arith.cmpi sgt, %scan3A_238, %sign3A_243 : i32
      %sign3A_245 = arith.extui %sign3A_244 : i1 to i32
      %sign3A_246 = arith.constant 0 : i32
      %sign3A_247 = arith.cmpi slt, %scan3A_238, %sign3A_246 : i32
      %sign3A_248 = arith.extui %sign3A_247 : i1 to i32
      %sign3A_249 = arith.subi %sign3A_245, %sign3A_248 : i32
      %sign3A_250 = arith.constant 0 : i32
      %sign3A_251 = arith.cmpi sgt, %jit3A_241, %sign3A_250 : i32
      %sign3A_252 = arith.extui %sign3A_251 : i1 to i32
      %sign3A_253 = arith.constant 0 : i32
      %sign3A_254 = arith.cmpi slt, %jit3A_241, %sign3A_253 : i32
      %sign3A_255 = arith.extui %sign3A_254 : i1 to i32
      %sign3A_256 = arith.subi %sign3A_252, %sign3A_255 : i32
      %ne3A_257 = arith.cmpi ne, %sign3A_249, %sign3A_256 : i32
      %rem3A_258 = arith.remsi %scan3A_238, %jit3A_241 : i32
      %ne3A_259 = arith.constant 0 : i32
      %ne3A_260 = arith.cmpi ne, %rem3A_258, %ne3A_259 : i32
      %and3A_261 = arith.andi %ne3A_257, %ne3A_260 : i1
      %sub3A_262 = arith.constant 1 : i32
      %sub3A_263 = arith.subi %div3A_242, %sub3A_262 : i32
      %select_n3A_264 = arith.select %and3A_261, %sub3A_263, %div3A_242 : i32
      %add3A_265 = arith.addi %mul3A_2, %select_n3A_264 : i32
      %rem3A_266 = arith.constant 2 : i32
      %rem3A_267 = arith.remsi %scan3A_238, %rem3A_266 : i32
      %jit3A_268 = arith.constant 192 : i32
      %div3A_269 = arith.divsi %add3A_265, %jit3A_268 : i32
      %sign3A_270 = arith.constant 0 : i32
      %sign3A_271 = arith.cmpi sgt, %add3A_265, %sign3A_270 : i32
      %sign3A_272 = arith.extui %sign3A_271 : i1 to i32
      %sign3A_273 = arith.constant 0 : i32
      %sign3A_274 = arith.cmpi slt, %add3A_265, %sign3A_273 : i32
      %sign3A_275 = arith.extui %sign3A_274 : i1 to i32
      %sign3A_276 = arith.subi %sign3A_272, %sign3A_275 : i32
      %sign3A_277 = arith.constant 0 : i32
      %sign3A_278 = arith.cmpi sgt, %jit3A_268, %sign3A_277 : i32
      %sign3A_279 = arith.extui %sign3A_278 : i1 to i32
      %sign3A_280 = arith.constant 0 : i32
      %sign3A_281 = arith.cmpi slt, %jit3A_268, %sign3A_280 : i32
      %sign3A_282 = arith.extui %sign3A_281 : i1 to i32
      %sign3A_283 = arith.subi %sign3A_279, %sign3A_282 : i32
      %ne3A_284 = arith.cmpi ne, %sign3A_276, %sign3A_283 : i32
      %rem3A_285 = arith.remsi %add3A_265, %jit3A_268 : i32
      %ne3A_286 = arith.constant 0 : i32
      %ne3A_287 = arith.cmpi ne, %rem3A_285, %ne3A_286 : i32
      %and3A_288 = arith.andi %ne3A_284, %ne3A_287 : i1
      %sub3A_289 = arith.constant 1 : i32
      %sub3A_290 = arith.subi %div3A_269, %sub3A_289 : i32
      %select_n3A_291 = arith.select %and3A_288, %sub3A_290, %div3A_269 : i32
      %rem3A_292 = arith.constant 192 : i32
      %rem3A_293 = arith.remsi %add3A_265, %rem3A_292 : i32
      %mul3A_294 = arith.constant 192 : i32
      %mul3A_295 = arith.muli %select_n3A_291, %mul3A_294 : i32
      %sub3A_296 = arith.constant 191 : i32
      %sub3A_297 = arith.subi %sub3A_296, %rem3A_293 : i32
      %add3A_298 = arith.addi %mul3A_295, %sub3A_297 : i32
      %mul3A_299 = arith.constant 25088 : i32
      %mul3A_300 = arith.muli %rem3A_267, %mul3A_299 : i32
      %dma_wait3A_301 = tpu.memref_slice %arg5[%rem3A_240] : memref<4x!tpu.dma_semaphore, #tpu.memory_space<semaphore_mem>> -> memref<1x!tpu.dma_semaphore, #tpu.memory_space<semaphore_mem>>
      %dma_wait3A_302 = tpu.memref_squeeze %dma_wait3A_301 : memref<1x!tpu.dma_semaphore, #tpu.memory_space<semaphore_mem>> -> memref<!tpu.dma_semaphore, #tpu.memory_space<semaphore_mem>>
      %dma_wait3A_303 = arith.constant 0 : i32
      %dma_wait3A_304 = arith.constant 0 : i32
      %dma_wait3A_305 = tpu.memref_slice %arg4[%arg1, %dma_wait3A_303, %dma_wait3A_304] : memref<16x4x25088xf32, #tpu.memory_space<vmem_shared>> -> memref<1x4x25088xf32, #tpu.memory_space<vmem_shared>>
      %dma_wait3A_306 = tpu.memref_squeeze %dma_wait3A_305 : memref<1x4x25088xf32, #tpu.memory_space<vmem_shared>> -> memref<4x25088xf32, #tpu.memory_space<vmem_shared>>
      %dma_wait3A_307 = arith.constant 0 : i32
      %dma_wait3A_308 = tpu.memref_slice %dma_wait3A_306[%rem3A_240, %dma_wait3A_307] : memref<4x25088xf32, #tpu.memory_space<vmem_shared>> -> memref<1x25088xf32, #tpu.memory_space<vmem_shared>>
      %dma_wait3A_309 = tpu.memref_squeeze %dma_wait3A_308 : memref<1x25088xf32, #tpu.memory_space<vmem_shared>> -> memref<25088xf32, #tpu.memory_space<vmem_shared>>
      %dma_wait3A_310 = tpu.memref_slice %arg2[%add3A_298, %mul3A_300] : memref<1536x50176xf32, #tpu.memory_space<hbm>> -> memref<1x25088xf32, #tpu.memory_space<hbm>>
      %dma_wait3A_311 = tpu.memref_squeeze %dma_wait3A_310 : memref<1x25088xf32, #tpu.memory_space<hbm>> -> memref<25088xf32, #tpu.memory_space<hbm>>
      tpu.wait_dma2 semaphore(%dma_wait3A_302 : memref<!tpu.dma_semaphore, #tpu.memory_space<semaphore_mem>>) src(%dma_wait3A_311 : memref<25088xf32, #tpu.memory_space<hbm>>) dst(%dma_wait3A_309 : memref<25088xf32, #tpu.memory_space<vmem_shared>>)
      %rem3A_312 = arith.constant 4 : i32
      %rem3A_313 = arith.remsi %scan3A_238, %rem3A_312 : i32
      %jit3A_314 = arith.constant 2 : i32
      %div3A_315 = arith.divsi %scan3A_238, %jit3A_314 : i32
      %sign3A_316 = arith.constant 0 : i32
      %sign3A_317 = arith.cmpi sgt, %scan3A_238, %sign3A_316 : i32
      %sign3A_318 = arith.extui %sign3A_317 : i1 to i32
      %sign3A_319 = arith.constant 0 : i32
      %sign3A_320 = arith.cmpi slt, %scan3A_238, %sign3A_319 : i32
      %sign3A_321 = arith.extui %sign3A_320 : i1 to i32
      %sign3A_322 = arith.subi %sign3A_318, %sign3A_321 : i32
      %sign3A_323 = arith.constant 0 : i32
      %sign3A_324 = arith.cmpi sgt, %jit3A_314, %sign3A_323 : i32
      %sign3A_325 = arith.extui %sign3A_324 : i1 to i32
      %sign3A_326 = arith.constant 0 : i32
      %sign3A_327 = arith.cmpi slt, %jit3A_314, %sign3A_326 : i32
      %sign3A_328 = arith.extui %sign3A_327 : i1 to i32
      %sign3A_329 = arith.subi %sign3A_325, %sign3A_328 : i32
      %ne3A_330 = arith.cmpi ne, %sign3A_322, %sign3A_329 : i32
      %rem3A_331 = arith.remsi %scan3A_238, %jit3A_314 : i32
      %ne3A_332 = arith.constant 0 : i32
      %ne3A_333 = arith.cmpi ne, %rem3A_331, %ne3A_332 : i32
      %and3A_334 = arith.andi %ne3A_330, %ne3A_333 : i1
      %sub3A_335 = arith.constant 1 : i32
      %sub3A_336 = arith.subi %div3A_315, %sub3A_335 : i32
      %select_n3A_337 = arith.select %and3A_334, %sub3A_336, %div3A_315 : i32
      %add3A_338 = arith.addi %mul3A_2, %select_n3A_337 : i32
      %rem3A_339 = arith.constant 2 : i32
      %rem3A_340 = arith.remsi %scan3A_238, %rem3A_339 : i32
      %mul3A_341 = arith.constant 25088 : i32
      %mul3A_342 = arith.muli %rem3A_340, %mul3A_341 : i32
      %dma_start3A_343 = tpu.memref_slice %arg6[%rem3A_313] : memref<4x!tpu.dma_semaphore, #tpu.memory_space<semaphore_mem>> -> memref<1x!tpu.dma_semaphore, #tpu.memory_space<semaphore_mem>>
      %dma_start3A_344 = tpu.memref_squeeze %dma_start3A_343 : memref<1x!tpu.dma_semaphore, #tpu.memory_space<semaphore_mem>> -> memref<!tpu.dma_semaphore, #tpu.memory_space<semaphore_mem>>
      %dma_start3A_345 = tpu.memref_slice %arg3[%add3A_338, %mul3A_342] : memref<1536x50176xf32, #tpu.memory_space<hbm>> -> memref<1x25088xf32, #tpu.memory_space<hbm>>
      %dma_start3A_346 = tpu.memref_squeeze %dma_start3A_345 : memref<1x25088xf32, #tpu.memory_space<hbm>> -> memref<25088xf32, #tpu.memory_space<hbm>>
      %dma_start3A_347 = arith.constant 0 : i32
      %dma_start3A_348 = arith.constant 0 : i32
      %dma_start3A_349 = tpu.memref_slice %arg4[%arg1, %dma_start3A_347, %dma_start3A_348] : memref<16x4x25088xf32, #tpu.memory_space<vmem_shared>> -> memref<1x4x25088xf32, #tpu.memory_space<vmem_shared>>
      %dma_start3A_350 = tpu.memref_squeeze %dma_start3A_349 : memref<1x4x25088xf32, #tpu.memory_space<vmem_shared>> -> memref<4x25088xf32, #tpu.memory_space<vmem_shared>>
      %dma_start3A_351 = arith.constant 0 : i32
      %dma_start3A_352 = tpu.memref_slice %dma_start3A_350[%rem3A_313, %dma_start3A_351] : memref<4x25088xf32, #tpu.memory_space<vmem_shared>> -> memref<1x25088xf32, #tpu.memory_space<vmem_shared>>
      %dma_start3A_353 = tpu.memref_squeeze %dma_start3A_352 : memref<1x25088xf32, #tpu.memory_space<vmem_shared>> -> memref<25088xf32, #tpu.memory_space<vmem_shared>>
      tpu.enqueue_dma source(%dma_start3A_353 : memref<25088xf32, #tpu.memory_space<vmem_shared>>) target(%dma_start3A_346 : memref<25088xf32, #tpu.memory_space<hbm>>) target_semaphore(%dma_start3A_344 : memref<!tpu.dma_semaphore, #tpu.memory_space<semaphore_mem>>)
      %ge3A = arith.constant 1 : i32
      %ge3A_354 = arith.cmpi sge, %scan3A_238, %ge3A : i32
      %add3A_355 = arith.constant 4 : i32
      %add3A_356 = arith.addi %scan3A_238, %add3A_355 : i32
      %sub3A_357 = arith.constant 1 : i32
      %sub3A_358 = arith.subi %add3A_356, %sub3A_357 : i32
      %lt3A = arith.constant 96 : i32
      %lt3A_359 = arith.cmpi slt, %sub3A_358, %lt3A : i32
      %and3A_360 = arith.andi %ge3A_354, %lt3A_359 : i1
      %convert_element_type3A = arith.extui %and3A_360 : i1 to i32
      %cond3A = arith.constant 0 : i32
      %cond3A_361 = arith.cmpi ne, %convert_element_type3A, %cond3A : i32
      scf.if %cond3A_361 {
        %sub3A_371 = arith.constant 1 : i32
        %sub3A_372 = arith.subi %scan3A_238, %sub3A_371 : i32
        %rem3A_373 = arith.constant 4 : i32
        %rem3A_374 = arith.remsi %sub3A_372, %rem3A_373 : i32
        %jit3A_375 = arith.constant 2 : i32
        %div3A_376 = arith.divsi %sub3A_372, %jit3A_375 : i32
        %sign3A_377 = arith.constant 0 : i32
        %sign3A_378 = arith.cmpi sgt, %sub3A_372, %sign3A_377 : i32
        %sign3A_379 = arith.extui %sign3A_378 : i1 to i32
        %sign3A_380 = arith.constant 0 : i32
        %sign3A_381 = arith.cmpi slt, %sub3A_372, %sign3A_380 : i32
        %sign3A_382 = arith.extui %sign3A_381 : i1 to i32
        %sign3A_383 = arith.subi %sign3A_379, %sign3A_382 : i32
        %sign3A_384 = arith.constant 0 : i32
        %sign3A_385 = arith.cmpi sgt, %jit3A_375, %sign3A_384 : i32
        %sign3A_386 = arith.extui %sign3A_385 : i1 to i32
        %sign3A_387 = arith.constant 0 : i32
        %sign3A_388 = arith.cmpi slt, %jit3A_375, %sign3A_387 : i32
        %sign3A_389 = arith.extui %sign3A_388 : i1 to i32
        %sign3A_390 = arith.subi %sign3A_386, %sign3A_389 : i32
        %ne3A_391 = arith.cmpi ne, %sign3A_383, %sign3A_390 : i32
        %rem3A_392 = arith.remsi %sub3A_372, %jit3A_375 : i32
        %ne3A_393 = arith.constant 0 : i32
        %ne3A_394 = arith.cmpi ne, %rem3A_392, %ne3A_393 : i32
        %and3A_395 = arith.andi %ne3A_391, %ne3A_394 : i1
        %sub3A_396 = arith.constant 1 : i32
        %sub3A_397 = arith.subi %div3A_376, %sub3A_396 : i32
        %select_n3A_398 = arith.select %and3A_395, %sub3A_397, %div3A_376 : i32
        %add3A_399 = arith.addi %mul3A_2, %select_n3A_398 : i32
        %rem3A_400 = arith.constant 2 : i32
        %rem3A_401 = arith.remsi %sub3A_372, %rem3A_400 : i32
        %mul3A_402 = arith.constant 25088 : i32
        %mul3A_403 = arith.muli %rem3A_401, %mul3A_402 : i32
        %dma_wait3A_404 = tpu.memref_slice %arg6[%rem3A_374] : memref<4x!tpu.dma_semaphore, #tpu.memory_space<semaphore_mem>> -> memref<1x!tpu.dma_semaphore, #tpu.memory_space<semaphore_mem>>
        %dma_wait3A_405 = tpu.memref_squeeze %dma_wait3A_404 : memref<1x!tpu.dma_semaphore, #tpu.memory_space<semaphore_mem>> -> memref<!tpu.dma_semaphore, #tpu.memory_space<semaphore_mem>>
        %dma_wait3A_406 = tpu.memref_slice %arg3[%add3A_399, %mul3A_403] : memref<1536x50176xf32, #tpu.memory_space<hbm>> -> memref<1x25088xf32, #tpu.memory_space<hbm>>
        %dma_wait3A_407 = tpu.memref_squeeze %dma_wait3A_406 : memref<1x25088xf32, #tpu.memory_space<hbm>> -> memref<25088xf32, #tpu.memory_space<hbm>>
        %dma_wait3A_408 = arith.constant 0 : i32
        %dma_wait3A_409 = arith.constant 0 : i32
        %dma_wait3A_410 = tpu.memref_slice %arg4[%arg1, %dma_wait3A_408, %dma_wait3A_409] : memref<16x4x25088xf32, #tpu.memory_space<vmem_shared>> -> memref<1x4x25088xf32, #tpu.memory_space<vmem_shared>>
        %dma_wait3A_411 = tpu.memref_squeeze %dma_wait3A_410 : memref<1x4x25088xf32, #tpu.memory_space<vmem_shared>> -> memref<4x25088xf32, #tpu.memory_space<vmem_shared>>
        %dma_wait3A_412 = arith.constant 0 : i32
        %dma_wait3A_413 = tpu.memref_slice %dma_wait3A_411[%rem3A_374, %dma_wait3A_412] : memref<4x25088xf32, #tpu.memory_space<vmem_shared>> -> memref<1x25088xf32, #tpu.memory_space<vmem_shared>>
        %dma_wait3A_414 = tpu.memref_squeeze %dma_wait3A_413 : memref<1x25088xf32, #tpu.memory_space<vmem_shared>> -> memref<25088xf32, #tpu.memory_space<vmem_shared>>
        tpu.wait_dma2 semaphore(%dma_wait3A_405 : memref<!tpu.dma_semaphore, #tpu.memory_space<semaphore_mem>>) src(%dma_wait3A_414 : memref<25088xf32, #tpu.memory_space<vmem_shared>>) dst(%dma_wait3A_407 : memref<25088xf32, #tpu.memory_space<hbm>>)
      } else {
      }
      %add3A_362 = arith.constant 4 : i32
      %add3A_363 = arith.addi %scan3A_238, %add3A_362 : i32
      %sub3A_364 = arith.constant 1 : i32
      %sub3A_365 = arith.subi %add3A_363, %sub3A_364 : i32
      %lt3A_366 = arith.constant 96 : i32
      %lt3A_367 = arith.cmpi slt, %sub3A_365, %lt3A_366 : i32
      %convert_element_type3A_368 = arith.extui %lt3A_367 : i1 to i32
      %cond3A_369 = arith.constant 0 : i32
      %cond3A_370 = arith.cmpi ne, %convert_element_type3A_368, %cond3A_369 : i32
      scf.if %cond3A_370 {
        %add3A_371 = arith.constant 4 : i32
        %add3A_372 = arith.addi %scan3A_238, %add3A_371 : i32
        %sub3A_373 = arith.constant 1 : i32
        %sub3A_374 = arith.subi %add3A_372, %sub3A_373 : i32
        %rem3A_375 = arith.constant 4 : i32
        %rem3A_376 = arith.remsi %sub3A_374, %rem3A_375 : i32
        %jit3A_377 = arith.constant 2 : i32
        %div3A_378 = arith.divsi %sub3A_374, %jit3A_377 : i32
        %sign3A_379 = arith.constant 0 : i32
        %sign3A_380 = arith.cmpi sgt, %sub3A_374, %sign3A_379 : i32
        %sign3A_381 = arith.extui %sign3A_380 : i1 to i32
        %sign3A_382 = arith.constant 0 : i32
        %sign3A_383 = arith.cmpi slt, %sub3A_374, %sign3A_382 : i32
        %sign3A_384 = arith.extui %sign3A_383 : i1 to i32
        %sign3A_385 = arith.subi %sign3A_381, %sign3A_384 : i32
        %sign3A_386 = arith.constant 0 : i32
        %sign3A_387 = arith.cmpi sgt, %jit3A_377, %sign3A_386 : i32
        %sign3A_388 = arith.extui %sign3A_387 : i1 to i32
        %sign3A_389 = arith.constant 0 : i32
        %sign3A_390 = arith.cmpi slt, %jit3A_377, %sign3A_389 : i32
        %sign3A_391 = arith.extui %sign3A_390 : i1 to i32
        %sign3A_392 = arith.subi %sign3A_388, %sign3A_391 : i32
        %ne3A_393 = arith.cmpi ne, %sign3A_385, %sign3A_392 : i32
        %rem3A_394 = arith.remsi %sub3A_374, %jit3A_377 : i32
        %ne3A_395 = arith.constant 0 : i32
        %ne3A_396 = arith.cmpi ne, %rem3A_394, %ne3A_395 : i32
        %and3A_397 = arith.andi %ne3A_393, %ne3A_396 : i1
        %sub3A_398 = arith.constant 1 : i32
        %sub3A_399 = arith.subi %div3A_378, %sub3A_398 : i32
        %select_n3A_400 = arith.select %and3A_397, %sub3A_399, %div3A_378 : i32
        %add3A_401 = arith.addi %mul3A_2, %select_n3A_400 : i32
        %rem3A_402 = arith.constant 2 : i32
        %rem3A_403 = arith.remsi %sub3A_374, %rem3A_402 : i32
        %jit3A_404 = arith.constant 192 : i32
        %div3A_405 = arith.divsi %add3A_401, %jit3A_404 : i32
        %sign3A_406 = arith.constant 0 : i32
        %sign3A_407 = arith.cmpi sgt, %add3A_401, %sign3A_406 : i32
        %sign3A_408 = arith.extui %sign3A_407 : i1 to i32
        %sign3A_409 = arith.constant 0 : i32
        %sign3A_410 = arith.cmpi slt, %add3A_401, %sign3A_409 : i32
        %sign3A_411 = arith.extui %sign3A_410 : i1 to i32
        %sign3A_412 = arith.subi %sign3A_408, %sign3A_411 : i32
        %sign3A_413 = arith.constant 0 : i32
        %sign3A_414 = arith.cmpi sgt, %jit3A_404, %sign3A_413 : i32
        %sign3A_415 = arith.extui %sign3A_414 : i1 to i32
        %sign3A_416 = arith.constant 0 : i32
        %sign3A_417 = arith.cmpi slt, %jit3A_404, %sign3A_416 : i32
        %sign3A_418 = arith.extui %sign3A_417 : i1 to i32
        %sign3A_419 = arith.subi %sign3A_415, %sign3A_418 : i32
        %ne3A_420 = arith.cmpi ne, %sign3A_412, %sign3A_419 : i32
        %rem3A_421 = arith.remsi %add3A_401, %jit3A_404 : i32
        %ne3A_422 = arith.constant 0 : i32
        %ne3A_423 = arith.cmpi ne, %rem3A_421, %ne3A_422 : i32
        %and3A_424 = arith.andi %ne3A_420, %ne3A_423 : i1
        %sub3A_425 = arith.constant 1 : i32
        %sub3A_426 = arith.subi %div3A_405, %sub3A_425 : i32
        %select_n3A_427 = arith.select %and3A_424, %sub3A_426, %div3A_405 : i32
        %rem3A_428 = arith.constant 192 : i32
        %rem3A_429 = arith.remsi %add3A_401, %rem3A_428 : i32
        %mul3A_430 = arith.constant 192 : i32
        %mul3A_431 = arith.muli %select_n3A_427, %mul3A_430 : i32
        %sub3A_432 = arith.constant 191 : i32
        %sub3A_433 = arith.subi %sub3A_432, %rem3A_429 : i32
        %add3A_434 = arith.addi %mul3A_431, %sub3A_433 : i32
        %mul3A_435 = arith.constant 25088 : i32
        %mul3A_436 = arith.muli %rem3A_403, %mul3A_435 : i32
        %dma_start3A_437 = tpu.memref_slice %arg5[%rem3A_376] : memref<4x!tpu.dma_semaphore, #tpu.memory_space<semaphore_mem>> -> memref<1x!tpu.dma_semaphore, #tpu.memory_space<semaphore_mem>>
        %dma_start3A_438 = tpu.memref_squeeze %dma_start3A_437 : memref<1x!tpu.dma_semaphore, #tpu.memory_space<semaphore_mem>> -> memref<!tpu.dma_semaphore, #tpu.memory_space<semaphore_mem>>
        %dma_start3A_439 = arith.constant 0 : i32
        %dma_start3A_440 = arith.constant 0 : i32
        %dma_start3A_441 = tpu.memref_slice %arg4[%arg1, %dma_start3A_439, %dma_start3A_440] : memref<16x4x25088xf32, #tpu.memory_space<vmem_shared>> -> memref<1x4x25088xf32, #tpu.memory_space<vmem_shared>>
        %dma_start3A_442 = tpu.memref_squeeze %dma_start3A_441 : memref<1x4x25088xf32, #tpu.memory_space<vmem_shared>> -> memref<4x25088xf32, #tpu.memory_space<vmem_shared>>
        %dma_start3A_443 = arith.constant 0 : i32
        %dma_start3A_444 = tpu.memref_slice %dma_start3A_442[%rem3A_376, %dma_start3A_443] : memref<4x25088xf32, #tpu.memory_space<vmem_shared>> -> memref<1x25088xf32, #tpu.memory_space<vmem_shared>>
        %dma_start3A_445 = tpu.memref_squeeze %dma_start3A_444 : memref<1x25088xf32, #tpu.memory_space<vmem_shared>> -> memref<25088xf32, #tpu.memory_space<vmem_shared>>
        %dma_start3A_446 = tpu.memref_slice %arg2[%add3A_434, %mul3A_436] : memref<1536x50176xf32, #tpu.memory_space<hbm>> -> memref<1x25088xf32, #tpu.memory_space<hbm>>
        %dma_start3A_447 = tpu.memref_squeeze %dma_start3A_446 : memref<1x25088xf32, #tpu.memory_space<hbm>> -> memref<25088xf32, #tpu.memory_space<hbm>>
        tpu.enqueue_dma source(%dma_start3A_447 : memref<25088xf32, #tpu.memory_space<hbm>>) target(%dma_start3A_445 : memref<25088xf32, #tpu.memory_space<vmem_shared>>) target_semaphore(%dma_start3A_438 : memref<!tpu.dma_semaphore, #tpu.memory_space<semaphore_mem>>)
      } else {
      }
    }
    %scan3A_154 = arith.constant 96 : i32
    %rem3A_155 = arith.constant 92 : i32
    %rem3A_156 = arith.constant 4 : i32
    %rem3A_157 = arith.remsi %rem3A_155, %rem3A_156 : i32
    %add3A_158 = arith.constant 46 : i32
    %add3A_159 = arith.addi %mul3A_2, %add3A_158 : i32
    %rem3A_160 = arith.constant 92 : i32
    %rem3A_161 = arith.constant 2 : i32
    %rem3A_162 = arith.remsi %rem3A_160, %rem3A_161 : i32
    %mul3A_163 = arith.constant 25088 : i32
    %mul3A_164 = arith.muli %rem3A_162, %mul3A_163 : i32
    %dma_wait3A = tpu.memref_slice %arg6[%rem3A_157] : memref<4x!tpu.dma_semaphore, #tpu.memory_space<semaphore_mem>> -> memref<1x!tpu.dma_semaphore, #tpu.memory_space<semaphore_mem>>
    %dma_wait3A_165 = tpu.memref_squeeze %dma_wait3A : memref<1x!tpu.dma_semaphore, #tpu.memory_space<semaphore_mem>> -> memref<!tpu.dma_semaphore, #tpu.memory_space<semaphore_mem>>
    %dma_wait3A_166 = tpu.memref_slice %arg3[%add3A_159, %mul3A_164] : memref<1536x50176xf32, #tpu.memory_space<hbm>> -> memref<1x25088xf32, #tpu.memory_space<hbm>>
    %dma_wait3A_167 = tpu.memref_squeeze %dma_wait3A_166 : memref<1x25088xf32, #tpu.memory_space<hbm>> -> memref<25088xf32, #tpu.memory_space<hbm>>
    %dma_wait3A_168 = arith.constant 0 : i32
    %dma_wait3A_169 = arith.constant 0 : i32
    %dma_wait3A_170 = tpu.memref_slice %arg4[%arg1, %dma_wait3A_168, %dma_wait3A_169] : memref<16x4x25088xf32, #tpu.memory_space<vmem_shared>> -> memref<1x4x25088xf32, #tpu.memory_space<vmem_shared>>
    %dma_wait3A_171 = tpu.memref_squeeze %dma_wait3A_170 : memref<1x4x25088xf32, #tpu.memory_space<vmem_shared>> -> memref<4x25088xf32, #tpu.memory_space<vmem_shared>>
    %dma_wait3A_172 = arith.constant 0 : i32
    %dma_wait3A_173 = tpu.memref_slice %dma_wait3A_171[%rem3A_157, %dma_wait3A_172] : memref<4x25088xf32, #tpu.memory_space<vmem_shared>> -> memref<1x25088xf32, #tpu.memory_space<vmem_shared>>
    %dma_wait3A_174 = tpu.memref_squeeze %dma_wait3A_173 : memref<1x25088xf32, #tpu.memory_space<vmem_shared>> -> memref<25088xf32, #tpu.memory_space<vmem_shared>>
    tpu.wait_dma2 semaphore(%dma_wait3A_165 : memref<!tpu.dma_semaphore, #tpu.memory_space<semaphore_mem>>) src(%dma_wait3A_174 : memref<25088xf32, #tpu.memory_space<vmem_shared>>) dst(%dma_wait3A_167 : memref<25088xf32, #tpu.memory_space<hbm>>)
    %rem3A_175 = arith.constant 93 : i32
    %rem3A_176 = arith.constant 4 : i32
    %rem3A_177 = arith.remsi %rem3A_175, %rem3A_176 : i32
    %add3A_178 = arith.constant 46 : i32
    %add3A_179 = arith.addi %mul3A_2, %add3A_178 : i32
    %rem3A_180 = arith.constant 93 : i32
    %rem3A_181 = arith.constant 2 : i32
    %rem3A_182 = arith.remsi %rem3A_180, %rem3A_181 : i32
    %mul3A_183 = arith.constant 25088 : i32
    %mul3A_184 = arith.muli %rem3A_182, %mul3A_183 : i32
    %dma_wait3A_185 = tpu.memref_slice %arg6[%rem3A_177] : memref<4x!tpu.dma_semaphore, #tpu.memory_space<semaphore_mem>> -> memref<1x!tpu.dma_semaphore, #tpu.memory_space<semaphore_mem>>
    %dma_wait3A_186 = tpu.memref_squeeze %dma_wait3A_185 : memref<1x!tpu.dma_semaphore, #tpu.memory_space<semaphore_mem>> -> memref<!tpu.dma_semaphore, #tpu.memory_space<semaphore_mem>>
    %dma_wait3A_187 = tpu.memref_slice %arg3[%add3A_179, %mul3A_184] : memref<1536x50176xf32, #tpu.memory_space<hbm>> -> memref<1x25088xf32, #tpu.memory_space<hbm>>
    %dma_wait3A_188 = tpu.memref_squeeze %dma_wait3A_187 : memref<1x25088xf32, #tpu.memory_space<hbm>> -> memref<25088xf32, #tpu.memory_space<hbm>>
    %dma_wait3A_189 = arith.constant 0 : i32
    %dma_wait3A_190 = arith.constant 0 : i32
    %dma_wait3A_191 = tpu.memref_slice %arg4[%arg1, %dma_wait3A_189, %dma_wait3A_190] : memref<16x4x25088xf32, #tpu.memory_space<vmem_shared>> -> memref<1x4x25088xf32, #tpu.memory_space<vmem_shared>>
    %dma_wait3A_192 = tpu.memref_squeeze %dma_wait3A_191 : memref<1x4x25088xf32, #tpu.memory_space<vmem_shared>> -> memref<4x25088xf32, #tpu.memory_space<vmem_shared>>
    %dma_wait3A_193 = arith.constant 0 : i32
    %dma_wait3A_194 = tpu.memref_slice %dma_wait3A_192[%rem3A_177, %dma_wait3A_193] : memref<4x25088xf32, #tpu.memory_space<vmem_shared>> -> memref<1x25088xf32, #tpu.memory_space<vmem_shared>>
    %dma_wait3A_195 = tpu.memref_squeeze %dma_wait3A_194 : memref<1x25088xf32, #tpu.memory_space<vmem_shared>> -> memref<25088xf32, #tpu.memory_space<vmem_shared>>
    tpu.wait_dma2 semaphore(%dma_wait3A_186 : memref<!tpu.dma_semaphore, #tpu.memory_space<semaphore_mem>>) src(%dma_wait3A_195 : memref<25088xf32, #tpu.memory_space<vmem_shared>>) dst(%dma_wait3A_188 : memref<25088xf32, #tpu.memory_space<hbm>>)
    %rem3A_196 = arith.constant 94 : i32
    %rem3A_197 = arith.constant 4 : i32
    %rem3A_198 = arith.remsi %rem3A_196, %rem3A_197 : i32
    %add3A_199 = arith.constant 47 : i32
    %add3A_200 = arith.addi %mul3A_2, %add3A_199 : i32
    %rem3A_201 = arith.constant 94 : i32
    %rem3A_202 = arith.constant 2 : i32
    %rem3A_203 = arith.remsi %rem3A_201, %rem3A_202 : i32
    %mul3A_204 = arith.constant 25088 : i32
    %mul3A_205 = arith.muli %rem3A_203, %mul3A_204 : i32
    %dma_wait3A_206 = tpu.memref_slice %arg6[%rem3A_198] : memref<4x!tpu.dma_semaphore, #tpu.memory_space<semaphore_mem>> -> memref<1x!tpu.dma_semaphore, #tpu.memory_space<semaphore_mem>>
    %dma_wait3A_207 = tpu.memref_squeeze %dma_wait3A_206 : memref<1x!tpu.dma_semaphore, #tpu.memory_space<semaphore_mem>> -> memref<!tpu.dma_semaphore, #tpu.memory_space<semaphore_mem>>
    %dma_wait3A_208 = tpu.memref_slice %arg3[%add3A_200, %mul3A_205] : memref<1536x50176xf32, #tpu.memory_space<hbm>> -> memref<1x25088xf32, #tpu.memory_space<hbm>>
    %dma_wait3A_209 = tpu.memref_squeeze %dma_wait3A_208 : memref<1x25088xf32, #tpu.memory_space<hbm>> -> memref<25088xf32, #tpu.memory_space<hbm>>
    %dma_wait3A_210 = arith.constant 0 : i32
    %dma_wait3A_211 = arith.constant 0 : i32
    %dma_wait3A_212 = tpu.memref_slice %arg4[%arg1, %dma_wait3A_210, %dma_wait3A_211] : memref<16x4x25088xf32, #tpu.memory_space<vmem_shared>> -> memref<1x4x25088xf32, #tpu.memory_space<vmem_shared>>
    %dma_wait3A_213 = tpu.memref_squeeze %dma_wait3A_212 : memref<1x4x25088xf32, #tpu.memory_space<vmem_shared>> -> memref<4x25088xf32, #tpu.memory_space<vmem_shared>>
    %dma_wait3A_214 = arith.constant 0 : i32
    %dma_wait3A_215 = tpu.memref_slice %dma_wait3A_213[%rem3A_198, %dma_wait3A_214] : memref<4x25088xf32, #tpu.memory_space<vmem_shared>> -> memref<1x25088xf32, #tpu.memory_space<vmem_shared>>
    %dma_wait3A_216 = tpu.memref_squeeze %dma_wait3A_215 : memref<1x25088xf32, #tpu.memory_space<vmem_shared>> -> memref<25088xf32, #tpu.memory_space<vmem_shared>>
    tpu.wait_dma2 semaphore(%dma_wait3A_207 : memref<!tpu.dma_semaphore, #tpu.memory_space<semaphore_mem>>) src(%dma_wait3A_216 : memref<25088xf32, #tpu.memory_space<vmem_shared>>) dst(%dma_wait3A_209 : memref<25088xf32, #tpu.memory_space<hbm>>)
    %rem3A_217 = arith.constant 95 : i32
    %rem3A_218 = arith.constant 4 : i32
    %rem3A_219 = arith.remsi %rem3A_217, %rem3A_218 : i32
    %add3A_220 = arith.constant 47 : i32
    %add3A_221 = arith.addi %mul3A_2, %add3A_220 : i32
    %rem3A_222 = arith.constant 95 : i32
    %rem3A_223 = arith.constant 2 : i32
    %rem3A_224 = arith.remsi %rem3A_222, %rem3A_223 : i32
    %mul3A_225 = arith.constant 25088 : i32
    %mul3A_226 = arith.muli %rem3A_224, %mul3A_225 : i32
    %dma_wait3A_227 = tpu.memref_slice %arg6[%rem3A_219] : memref<4x!tpu.dma_semaphore, #tpu.memory_space<semaphore_mem>> -> memref<1x!tpu.dma_semaphore, #tpu.memory_space<semaphore_mem>>
    %dma_wait3A_228 = tpu.memref_squeeze %dma_wait3A_227 : memref<1x!tpu.dma_semaphore, #tpu.memory_space<semaphore_mem>> -> memref<!tpu.dma_semaphore, #tpu.memory_space<semaphore_mem>>
    %dma_wait3A_229 = tpu.memref_slice %arg3[%add3A_221, %mul3A_226] : memref<1536x50176xf32, #tpu.memory_space<hbm>> -> memref<1x25088xf32, #tpu.memory_space<hbm>>
    %dma_wait3A_230 = tpu.memref_squeeze %dma_wait3A_229 : memref<1x25088xf32, #tpu.memory_space<hbm>> -> memref<25088xf32, #tpu.memory_space<hbm>>
    %dma_wait3A_231 = arith.constant 0 : i32
    %dma_wait3A_232 = arith.constant 0 : i32
    %dma_wait3A_233 = tpu.memref_slice %arg4[%arg1, %dma_wait3A_231, %dma_wait3A_232] : memref<16x4x25088xf32, #tpu.memory_space<vmem_shared>> -> memref<1x4x25088xf32, #tpu.memory_space<vmem_shared>>
    %dma_wait3A_234 = tpu.memref_squeeze %dma_wait3A_233 : memref<1x4x25088xf32, #tpu.memory_space<vmem_shared>> -> memref<4x25088xf32, #tpu.memory_space<vmem_shared>>
    %dma_wait3A_235 = arith.constant 0 : i32
    %dma_wait3A_236 = tpu.memref_slice %dma_wait3A_234[%rem3A_219, %dma_wait3A_235] : memref<4x25088xf32, #tpu.memory_space<vmem_shared>> -> memref<1x25088xf32, #tpu.memory_space<vmem_shared>>
    %dma_wait3A_237 = tpu.memref_squeeze %dma_wait3A_236 : memref<1x25088xf32, #tpu.memory_space<vmem_shared>> -> memref<25088xf32, #tpu.memory_space<vmem_shared>>
    tpu.wait_dma2 semaphore(%dma_wait3A_228 : memref<!tpu.dma_semaphore, #tpu.memory_space<semaphore_mem>>) src(%dma_wait3A_237 : memref<25088xf32, #tpu.memory_space<vmem_shared>>) dst(%dma_wait3A_230 : memref<25088xf32, #tpu.memory_space<hbm>>)
    return
  }
}

</mosaic_0001>

<sc_bundles>
// kernel: kernel.3.cloned.1.call-start
scs
__scs_entry_jumppad:
0x0: {  	(pc) =	sbr.rel $0x88, $3  }
0x1: {  	(tag) =	ssettag $0x0;
	lr =	simm.s32 $0x1  }
0x2: {  	[smem:$0x3FA0] =	sst lr;
	_ =	strace $0xD0000000  }
0x3: {  	_ = 	snop  }
0x4: {  	_ = 	snop  }
0x5: {  	_ = 	snop  }
0x6: {  	_ = 	snop  }
0x7: {  	_ = 	snop  }
__scs_overlays_trampoline_lowered:
0x8: {  	[smem:$0x3FAF] =	sst s0  }
0x9: {  	[smem:$0x3FB0] =	sst s1  }
0xa: {  	[smem:$0x3FB1] =	sst s2  }
0xb: {  	[smem:$0x3FB2] =	sst s3  }
0xc: {  	[smem:$0x3FB3] =	sst s4  }
0xd: {  	[smem:$0x3FB4] =	sst s5  }
0xe: {  	[smem:$0x3FB5] =	sst s6  }
0xf: {  	[smem:$0x3FB6] =	sst s7  }
0x10: {  	[smem:$0x3FB7] =	sst s8  }
0x11: {  	[smem:$0x3FB8] =	sst s9;
	s0 =	simm.s32 @!p0 $0x0  }
0x12: {  	s1 =	sld [smem:$0x3F9E];
	s0 =	simm.s32 @p0 $0x1  }
0x13: {  	[smem:$0x3FB9] =	sst s0;
	s0 =	simm.s32 @!p1 $0x0  }
0x14: {  	s2 =	sld [smem:$0x3F9D];
	s0 =	simm.s32 @p1 $0x1  }
0x15: {  	[smem:$0x3FBA] =	sst s0;
	s0 =	simm.s32 @!p2 $0x0  }
0x16: {  	s3 =	sld [smem:$0x3FDB];
	s0 =	simm.s32 @p2 $0x1  }
0x17: {  	s4 =	simm.s32 $0x1BF5;
	[smem:$0x3FBC] =	sst s0  }
0x18: {  	s0 =	sld [smem:$0x3F9F];
	_ =	swait.ge [sflag:s4], $0x0  }
0x19: {  	s7 =	sld [smem:$0x3FA0]  }
0x1a: {  	s8 =	sadd.s32 $0xFFFFE003, lr  }
0x1b: {  	s9 =	sadd.s32 $0xFFFFFEF7, lr;
	s5 =	simm.s32 $0xFFFFFFFF;
	p2 =	slt.u32 s8, $0xFFFFF086  }
0x1c: {  	p1 =	slt.u32 s9, $0xF7A;
	s5 =	simm.s32 @!p2 $0x0  }
0x1d: {  	s5 =	simm.s32 @p1 $0x1;
	p0 =	seq.s32 s7, s2  }
0x1e: {  	s7 =	smul.u32 @!p0 $0xF7A, s2;
	p2 =	seq.s32 @!p0 s5, $0x0  }
0x1f: {  	s9 =	smul.u32 $0xF7A, s1;
	s8 =	simm.s32 @!p0 $0x1BF5;
	p2 =	por !p2, p0  }
0x20: {  	[sflag:s8] =	ssyncset.s32 @!p0 $0xFFFFF086;
	s6 =	sadd.s32 @!p0 s3, s7;
	s7 =	simm.s32 @!p0 $0x108  }
0x21: {  	s3 =	sadd.s32 s3, s9;
	s6 =	sadd.s32 @!p0 $0x88, s6;
	s7 =	simm.s32 @p2 $0x1082  }
0x22: {  	[simem:s7], [sflag:s8] =	dma.local @!p0 [hbm:s6], $0xF7A  }
0x23: {  	s9 =	sor.u32 $0xD0000000, s2;
	s6 =	simm.s32 $0x108;
	_ =	swait.ge @!p0 [sflag:s8], $0x0  }
0x24: {  	s3 =	sadd.s32 $0x88, s3;
	s6 =	simm.s32 @!p1 $0x1082;
	[sflag:s4] =	ssyncset.s32 $0xFFFFF086  }
0x25: {  	[simem:s6], [sflag:s4] =	dma.local [hbm:s3], $0xF7A  }
0x26: {  	[smem:$0x3FA0] =	sst s1;
	(tag) =	ssettag s2;
	_ =	strace s9  }
0x27: {  	s1 =	sld [smem:$0x3FB0]  }
0x28: {  	s2 =	sld [smem:$0x3FB1]  }
0x29: {  	s4 =	sld [smem:$0x3FB3]  }
0x2a: {  	p0 =	seq.s32 s5, $0x0;
	s5 =	sld [smem:$0x3FB4]  }
0x2b: {  	s6 =	sld [smem:$0x3FB5]  }
0x2c: {  	s7 =	sld [smem:$0x3FB6]  }
0x2d: {  	s3 =	simm.s32 $0x108;
	s8 =	sld [smem:$0x3FB7]  }
0x2e: {  	s3 =	simm.s32 @!p0 $0x1082;
	s9 =	sld [smem:$0x3FB8]  }
0x2f: {  	lr =	sadd.s32 s0, s3;
	s0 =	sld [smem:$0x3FAF]  }
0x30: {  	s3 =	sld [smem:$0x3FB2]  }
0x31: {  	[smem:$0x3FBB] =	sst s10  }
0x32: {  	s10 =	sld [smem:$0x3FB9];
	_ =	sdelay $0x3  }
0x33: {  	p0 =	seq.s32 s10, $0x1;
	s10 =	sld [smem:$0x3FBB];
	_ =	sdelay $0x3  }
0x34: {  	[smem:$0x3FBB] =	sst s10  }
0x35: {  	s10 =	sld [smem:$0x3FBA];
	_ =	sdelay $0x3  }
0x36: {  	p1 =	seq.s32 s10, $0x1;
	s10 =	sld [smem:$0x3FBB];
	_ =	sdelay $0x3  }
0x37: {  	[smem:$0x3FBB] =	sst s10  }
0x38: {  	s10 =	sld [smem:$0x3FBC]  }
0x39: {  	_ = 	snop;
	(pc) =	sbr.ind lr, $3  }
0x3a: {  	_ = 	snop  }
0x3b: {  	_ = 	snop  }
0x3c: {  	p2 =	seq.s32 s10, $0x1;
	s10 =	sld [smem:$0x3FBB]  }
0x3d: {  	_ =	shalt  }
0x3e: {  	_ =	shalt  }
0x3f: {  	_ =	shalt  }
0x40: {  	_ =	shalt  }
0x41: {  	_ =	shalt  }
0x42: {  	_ =	shalt  }
0x43: {  	_ =	shalt  }
0x44: {  	_ =	shalt  }
0x45: {  	_ =	shalt  }
0x46: {  	_ =	shalt  }
0x47: {  	_ =	shalt  }
0x48: {  	_ =	shalt  }
0x49: {  	_ =	shalt  }
0x4a: {  	_ =	shalt  }
0x4b: {  	_ =	shalt  }
0x4c: {  	_ =	shalt  }
0x4d: {  	_ =	shalt  }
0x4e: {  	_ =	shalt  }
0x4f: {  	_ =	shalt  }
0x50: {  	_ =	shalt  }
0x51: {  	_ =	shalt  }
0x52: {  	_ =	shalt  }
0x53: {  	_ =	shalt  }
0x54: {  	_ =	shalt  }
0x55: {  	_ =	shalt  }
0x56: {  	_ =	shalt  }
0x57: {  	_ =	shalt  }
0x58: {  	_ =	shalt  }
0x59: {  	_ =	shalt  }
0x5a: {  	_ =	shalt  }
0x5b: {  	_ =	shalt  }
0x5c: {  	_ =	shalt  }
0x5d: {  	_ =	shalt  }
0x5e: {  	_ =	shalt  }
0x5f: {  	_ =	shalt  }
0x60: {  	_ =	shalt  }
0x61: {  	_ =	shalt  }
0x62: {  	_ =	shalt  }
0x63: {  	_ =	shalt  }
0x64: {  	_ =	shalt  }
0x65: {  	_ =	shalt  }
0x66: {  	_ =	shalt  }
0x67: {  	_ =	shalt  }
0x68: {  	_ =	shalt  }
0x69: {  	_ =	shalt  }
0x6a: {  	_ =	shalt  }
0x6b: {  	_ =	shalt  }
0x6c: {  	_ =	shalt  }
0x6d: {  	_ =	shalt  }
0x6e: {  	_ =	shalt  }
0x6f: {  	_ =	shalt  }
0x70: {  	_ =	shalt  }
0x71: {  	_ =	shalt  }
0x72: {  	_ =	shalt  }
0x73: {  	_ =	shalt  }
0x74: {  	_ =	shalt  }
0x75: {  	_ =	shalt  }
0x76: {  	_ =	shalt  }
0x77: {  	_ =	shalt  }
0x78: {  	_ =	shalt  }
0x79: {  	_ =	shalt  }
0x7a: {  	_ =	shalt  }
0x7b: {  	_ =	shalt  }
0x7c: {  	_ =	shalt  }
0x7d: {  	_ =	shalt  }
0x7e: {  	_ =	shalt  }
0x7f: {  	_ =	shalt  }
0x80: {  	_ =	shalt  }
0x81: {  	_ =	shalt  }
0x82: {  	_ =	shalt  }
0x83: {  	_ =	shalt  }
0x84: {  	_ =	shalt  }
0x85: {  	_ =	shalt  }
0x86: {  	_ =	shalt  }
0x87: {  	_ =	shalt  }
.Lfunc_end0:
.L_simem_size_0:
called_computation_lowered:
.L_overlay_start_0:
0x88: {  	s2 =	sld [smem:$0x3FD9]  }
0x89: {  	s3 =	sld [smem:$0x3FFE];
	_ =	sdelay $0x1  }
0x8a: {  	s1 =	srdreg.scid  }
0x8b: {  	s0 =	sand.u32 $0x1, s1  }
0x8c: {  	s17 =	sshll.u32 s0, $0xA;
	s2 =	sadd.s32 s3, s2  }
0x8d: {  	s2 =	sadd.s32 s2, s17  }
0x8e: {  	[smem:$0x3FC7] =	sst s2  }
0x8f: {  	_ = 	snop  }
0x90: {  	s2 =	sld [smem:$0x3FD0];
	(tm) =	ssettm $0x1  }
0x91: {  	s18 =	sld [smem:$0x3FFB];
	_ =	sdelay $0x3  }
0x92: {  	_ =	strace s18  }
0x93: {  	s3 =	sld [smem:$0x3FFC];
	_ =	sdelay $0x3  }
0x94: {  	_ =	strace s3  }
0x95: {  	s3 =	sld [smem:$0x3FFD];
	_ =	sdelay $0x3  }
0x96: {  	_ =	strace s3  }
0x97: {  	_ =	strace $0x8FFFFFFF  }
0x98: {  	s19 =	sld [smem:$0x3FDB];
	_ =	sdelay $0x1  }
0x99: {  	s4 =	simm.s32 $_scs_section_size  }
0x9a: {  	s5 =	simm.s32 $_size__tile_overlayer_lowered;
	s6 =	simm.s32 $_tile_overlayer_lowered  }
0x9b: {  	s22 =	simm.s32 $0x1BFF;
	s21 =	sshll.u32 s6, $0x1;
	s3 =	sadd.s32 s4, s19  }
0x9c: {  	s7 =	simm.s32 $0x0;
	s20 =	sshll.u32 s5, $0x1;
	s5 =	sadd.s32 s21, s3  }
0x9d: {  	[timem:s7], [sflag:s22] =	dma.local [hbm:s5], s20  }
0x9e: {  	_ =	swait.ge [sflag:s22], s20  }
0x9f: {  	s4 =	ssub.s32 $0x0, s20;
	[sflag:s22] =	ssyncset.done $0x0  }
0xa0: {  	[sflag:s22] =	ssyncadd.s32 s4;
	_ =	sdelay $0x1  }
0xa1: {  	s23 =	simm.s32 $0x1B8B  }
0xa2: {  	_ =	swait.ge [sflag:s23], $0x1  }
0xa3: {  	[sflag:s23] =	ssyncset.done $0x0  }
0xa4: {  	s25 =	simm.s32 $0x1B8E;
	s24 =	sld [smem:$0x3FFE];
	[sflag:s23] =	ssyncadd.s32 $0xFFFFFFFF  }
0xa5: {  	s26 =	simm.s32 $execute0_lowered;
	[smem:$0x3FD2] =	sst s25  }
0xa6: {  	s5 =	sshll.u32 s26, $0x1;
	_ =	strace $0x80000046;
	[dreg:$0x1] =	wrdreg $0xFFFFFFFF  }
0xa7: {  	s28 =	simm.s32 $_size_execute0_lowered;
	s3 =	sadd.s32 s3, s5;
	[dreg:$0x0] =	wrdreg $0x0  }
0xa8: {  	s5 =	sshll.u32 s28, $0x1;
	[dreg:$0x2] =	wrdreg s3  }
0xa9: {  	[dreg:$0x3] =	wrdreg s5  }
0xaa: {  	[dreg:$0x4] =	wrdreg $0xC0  }
0xab: {  	_ =	task [dreg:s7], $0x5FFFF  }
0xac: {  	[dreg:$0x1] =	wrdreg $0xFFFFFFFF  }
0xad: {  	[dreg:$0x0] =	wrdreg $0x60  }
0xae: {  	[dreg:$0x2] =	wrdreg s2  }
0xaf: {  	[dreg:$0x3] =	wrdreg s24  }
0xb0: {  	[dreg:$0x4] =	wrdreg $0x0  }
0xb1: {  	[dreg:$0x5] =	wrdreg $0x9  }
0xb2: {  	_ =	task.clear_ibuf [dreg:s7], $0x6FFFF;
	_ =	strace $0x90000046  }
0xb3: {  	s29 =	simm.s32 $0x9;
	_ =	strace $0x80000048  }
0xb4: {  	_ =	swait.ge [sflag:s29], $0x1  }
0xb5: {  	[sflag:s29] =	ssyncadd.s32 $0xFFFFFFFF  }
0xb6: {  	_ =	strace $0x90000048  }
0xb7: {  	_ =	sfence  }
0xb8: {  	s30 =	sld [smem:$0x0];
	_ =	sdelay $0x2  }
0xb9: {  	s31 =	sshll.u32 s1, $0xD;
	s1 =	sshrl.u32 s1, $0x2  }
0xba: {  	s3 =	sand.u32 $0x4000, s31;
	s1 =	sadd.s32 s1, s30  }
0xbb: {  	s0 =	sor.u32 s3, s0;
	s1 =	sshll.u32 s1, $0x11  }
0xbc: {  	s0 =	sor.u32 s1, s0  }
0xbd: {  	s0 =	sadd.s32 $0x8F2B, s0  }
0xbe: {  	[sflag:s0] =	ssyncadd.remote.s32 $0x1  }
0xbf: {  	_ =	sfence.sel $0xFFFF  }
0xc0: {  	[dreg:$0x0] =	wrdreg $0xFFFFFFFF;
	(pc) =	sbr.abs _section_cstart, $3  }
0xc1: {  	[dreg:$0x1] =	wrdreg $0xFFFFFFFF  }
0xc2: {  	_ =	task.clear_ibuf [dreg:s7], $0x2FFFF;
	_ =	strace $0x9FFFFFFF  }
0xc3: {  	(tm) =	ssettm $0x7FFFFFFF  }
tec
execute0_lowered:
.L_overlay_start_1:
0x0: {  	(tag) =	ssettag $0x1  }
0x1: {  	s1 =	srdreg.scid;
	s0 =	stileid.u32  }
0x2: {  	s5 =	sand.u32 $0x1, s1;
	s19 =	sshll.u32 s0, $0x1  }
0x3: {  	s2 =	rddreg [dreg:$0x0];
	s21 =	smul.u32 $0x62000, s0;
	s1 =	sor.u32 s5, s19  }
0x4: {  	s6 =	rddreg [dreg:$0x1];
	s3 =	smul.u32 $0x8010, s1  }
0x5: {  	s8 =	rddreg [dreg:$0x2];
	s9 =	sshrl.u32 s0, $0x1;
	s1 =	smul.u32 $0x30, s1  }
0x6: {  	s14 =	simm.s32 $0x1;
	s9 =	smul.u32 $0xC0, s9;
	s3 =	sshrl.u32 s3, $0x11  }
0x7: {  	s15 =	simm.s32 $0x40;
	s7 =	sor.u32 $0x1, s1;
	s4 =	smul.u32 $0xC0, s3  }
0x8: {  	s16 =	simm.s32 $0x80;
	s12 =	ssub.s32 $0x2, s5;
	s10 =	smul.u32 $0x2AB, s7  }
0x9: {  	s22 =	sshrl.u32 s12, $0x1;
	s24 =	sshrl.u32 s21, $0x2;
	s21 =	simm.s32 $0x5  }
0xa: {  	s12 =	ssub.s32 s12, s22;
	s11 =	ssub.s32 s1, s4;
	s10 =	sshrl.u32 s10, $0x11  }
0xb: {  	s22 =	simm.s32 $0x6;
	s11 =	sand.u32 $0xFFF0, s11;
	s10 =	smul.u32 $0xC0, s10  }
0xc: {  	s12 =	smax.u32 s12, $0x1;
	s4 =	simm.s32 $0x0;
	s11 =	ssub.s32 s9, s11  }
0xd: {  	[smem:$0x7FF] =	sst s4;
	s20 =	sadd.s32 $0xB8, s11;
	s7 =	ssub.s32 s7, s10  }
0xe: {  	_ =	strace $0x80000047;
	s5 =	sshrl.u32 s20, $0x3;
	s7 =	sand.u32 $0xFFF1, s7  }
0xf: {  	s13 =	smul.u32 $0x62000, s5;
	s5 =	sadd.s32 $0x400, s6;
	s23 =	ssub.s32 s9, s7  }
0x10: {  	s6 =	sadd.s32 s24, s8;
	s7 =	sshll.u32 s0, $0x6;
	s24 =	simm.s32 $0x8  }
0x11: {  	s26 =	sadd.s32 $0xBF, s23;
	s9 =	sor.u32 $0x1C01, s7;
	s18 =	sadd.s32 $0x80, s6  }
0x12: {  	s20 =	sadd.s32 $0x100, s6;
	s17 =	sor.u32 $0x1C02, s7;
	s19 =	sor.u32 $0x1C03, s7  }
.Ltmp0:
0x13: {  	s23 =	simm.s32 $0x7;
	s29 =	sshrl.u32 s26, $0x3;
	(pc) =	sbr.rel .LBB2_1-.Ltmp0, $4  }
0x14: {  	s25 =	sshrl.u32 s13, $0x3;
	s30 =	sadd.s32 $0x31380, s13;
	s31 =	smul.u32 $0xC400, s29  }
0x15: {  	s13 =	sshrl.u32 s6, $0x3;
	s18 =	sshrl.u32 s18, $0x3;
	s20 =	sshrl.u32 s20, $0x3  }
0x16: {  	s28 =	sadd.s32 s25, s2;
	s10 =	sshrl.u32 s30, $0x3;
	s11 =	sadd.s32 s31, s2  }
0x17: {  	s8 =	sadd.s32 $0x70, s28;
	s10 =	sadd.s32 s2, s10;
	s11 =	sadd.s32 $0x60, s11  }
.LBB2_8:
0x18: {  	_ =	swait.ge [sflag:s21], $0xC40  }
0x19: {  	[sflag:s21] =	ssyncset.done $0x0  }
0x1a: {  	[sflag:s21] =	ssyncadd.s32 $0xFFFFF3C0  }
0x1b: {  	_ =	swait.ge [sflag:s22], $0xC40  }
0x1c: {  	[sflag:s22] =	ssyncset.done $0x0  }
0x1d: {  	s4 =	sadd.s32 $0x1, s4;
	[sflag:s22] =	ssyncadd.s32 $0xFFFFF3C0  }
0x1e: {  	p0 =	sne.s32 s4, s12;
	_ =	swait.ge [sflag:s23], $0xC40  }
.Ltmp1:
0x1f: {  	[sflag:s23] =	ssyncset.done $0x0;
	(pc) =	sbr.rel @!p0 .LBB2_9-.Ltmp1, $4  }
0x20: {  	[sflag:s23] =	ssyncadd.s32 $0xFFFFF3C0  }
0x21: {  	_ =	swait.ge [sflag:s24], $0xC40  }
0x22: {  	[sflag:s24] =	ssyncset.done $0x0  }
0x23: {  	[sflag:s24] =	ssyncadd.s32 $0xFFFFF3C0  }
.LBB2_1:
.Ltmp2:
0x24: {  	(pc) =	sbr.rel .LBB2_2-.Ltmp2, $4  }
0x25: {  	[spmem:s13@s15], [sflag:s9] =	dma.strided [hbm:s8@s16], $0xC40, s14, $0x10   }
0x26: {  	s26 =	simm.s32 $0xFFFFFFFF;
	s25 =	simm.s32 $0x0  }
0x27: {  	[spmem:s18@s15], [sflag:s17] =	dma.strided [hbm:s10@s16], $0xC40, s14, $0x10   }
0x28: {  	[spmem:s20@s15], [sflag:s19] =	dma.strided [hbm:s11@s16], $0xC40, s14, $0x10   }
.LBB2_3:
0x29: {  	s28 =	sand.u32 $0x3, s29  }
0x2a: {  	s0 =	sadd.s32 $0x5, s28  }
0x2b: {  	_ =	swait.ge [sflag:s0], $0xC40  }
0x2c: {  	[sflag:s0] =	ssyncset.done $0x0  }
0x2d: {  	[sflag:s0] =	ssyncadd.s32 $0xFFFFF3C0  }
.LBB2_6:
0x2e: {  	s0 =	sshrl.u32 s29, $0x1  }
0x2f: {  	s0 =	sadd.s32 s1, s0  }
0x30: {  	s3 =	smulhi.u32 $0xAAAAAAAB, s0;
	_ =	sdelay $0x1  }
0x31: {  	s3 =	sshrl.u32 s3, $0x7  }
0x32: {  	s3 =	smul.u32 $0xC0, s3;
	_ =	sdelay $0x1  }
0x33: {  	s3 =	ssub.s32 s0, s3  }
0x34: {  	s3 =	sshll.u32 s3, $0x1  }
0x35: {  	s0 =	ssub.s32 s0, s3  }
0x36: {  	s0 =	sadd.s32 $0xBF, s0  }
0x37: {  	s31 =	sand.u32 $0x1, s29;
	s30 =	sshrl.u32 s0, $0x3  }
0x38: {  	s29 =	simm.s32 $0x31000;
	p0 =	seq.s32 s31, $0x1;
	s3 =	smul.u32 $0x62000, s30  }
0x39: {  	s29 =	simm.s32 @!p0 $0x0;
	s0 =	sshll.u32 s0, $0x7  }
0x3a: {  	s0 =	sand.u32 $0x380, s0;
	s30 =	sadd.s32 $0x180, s25;
	s3 =	sadd.s32 s29, s3  }
0x3b: {  	s31 =	sand.u32 $0x180, s30;
	s0 =	sor.u32 s0, s3  }
0x3c: {  	s28 =	sor.u32 s7, s28;
	s3 =	sadd.s32 s31, s6;
	s0 =	sshrl.u32 s0, $0x3  }
0x3d: {  	s28 =	sadd.s32 $0x1C01, s28;
	s3 =	sshrl.u32 s3, $0x3;
	s0 =	sadd.s32 s2, s0  }
0x3e: {  	[spmem:s3@s15], [sflag:s28] =	dma.strided [hbm:s0@s16], $0xC40, s14, $0x10   }
.LBB2_7:
0x3f: {  	p0 =	sne.s32 s26, $0x5F  }
.Ltmp3:
0x40: {  	_ = 	snop;
	(pc) =	sbr.rel @!p0 .LBB2_8-.Ltmp3, $2  }
0x41: {  	_ =	sdelay $0x2  }
0x42: {  	s25 =	sadd.s32 $0x80, s25  }
.LBB2_2:
0x43: {  	s28 =	smov.u32 s26;
	s26 =	sadd.s32 $0x1, s26  }
0x44: {  	s29 =	sshrl.u32 s26, $0x1;
	s30 =	sand.u32 $0x3, s26  }
0x45: {  	s3 =	sand.u32 $0x1, s26;
	s0 =	sshll.u32 s26, $0x6;
	s29 =	sadd.s32 s1, s29  }
0x46: {  	s31 =	sadd.s32 $0x1, s30;
	p0 =	seq.s32 s3, $0x1;
	s29 =	sshrl.u32 s29, $0x3  }
0x47: {  	s3 =	simm.s32 $0x31000;
	_ =	swait.ge [sflag:s31], $0xC40;
	s29 =	smul.u32 $0x62000, s29  }
0x48: {  	s0 =	sand.u32 $0x380, s0;
	s3 =	simm.s32 @!p0 $0x0;
	[sflag:s31] =	ssyncset.done $0x0  }
0x49: {  	p0 =	sgt.u32 s28, $0x5B;
	[sflag:s31] =	ssyncadd.s32 $0xFFFFF3C0;
	s3 =	sadd.s32 s3, s29  }
.Ltmp4:
0x4a: {  	s31 =	sand.u32 $0x180, s25;
	s0 =	sor.u32 s0, s3;
	(pc) =	sbr.rel @!p0 .LBB2_3-.Ltmp4, $4  }
0x4b: {  	s29 =	sor.u32 s7, s30;
	s3 =	sadd.s32 s31, s6;
	s0 =	sshrl.u32 s0, $0x3  }
0x4c: {  	s29 =	sadd.s32 $0x1C05, s29;
	s3 =	sshrl.u32 s3, $0x3;
	s0 =	sadd.s32 s5, s0  }
0x4d: {  	[hbm:s0@s16], [sflag:s29] =	dma.strided [spmem:s3@s15], $0xC40, s14, $0x10   }
0x4e: {  	s29 =	sadd.s32 $0x4, s28  }
0x4f: {  	p0 =	sgt.u32 s26, $0x5C  }
.Ltmp5:
0x50: {  	_ = 	snop;
	(pc) =	sbr.rel @p0 .LBB2_7-.Ltmp5, $1  }
0x51: {  	_ =	sdelay $0x3  }
.Ltmp6:
0x52: {  	(pc) =	sbr.rel .LBB2_6-.Ltmp6, $2  }
0x53: {  	_ =	sdelay $0x2  }
0x54: {  	s28 =	sand.u32 $0x3, s29  }
.LBB2_9:
0x55: {  	_ =	sfence.sel $0x180000  }
0x56: {  	[bflag:$0x0] =	sbarrier.arrive $0xFFFF  }
0x57: {  	_ =	strace $0x90000047  }
0x58: {  	s0 =	stileid.u32;
	[bflag:$0x2] =	sbarrier.arrive $0xFFFF  }
0x59: {  	p0 =	sne.s32 s0, $0x0;
	s0 =	rddreg [dreg:$0x3]  }
0x5a: {  	s0 =	sadd.s32 @!p0 $0x100000, s0  }
0x5b: {  	[sflag:s0] =	ssyncadd.tile.s32 @!p0 $0x1;
	_ =	shalt  }
.Lfunc_end2:
_tile_overlayer_lowered:
.L_overlay_start_2:
0x5c: {  	(tag) =	ssettag $0x2  }
0x5d: {  	s0 =	rddreg [dreg:$0x0];
	s2 =	stileid.u32  }
0x5e: {  	s1 =	rddreg [dreg:$0x1];
	p0 =	sne.s32 s2, $0x0  }
0x5f: {  	s3 =	rddreg [dreg:$0x2];
	[bflag:$0x3] =	sbarrier.arrive $0xFFFF;
	s2 =	simm.s32 @!p0 $0x1C09  }
0x60: {  	[timem:s3], [sflag:s2] =	dma.local @!p0 [hbm:s0], s1  }
0x61: {  	s0 =	simm.s32 @!p0 $0x9  }
0x62: {  	_ =	swait.ge @!p0 [sflag:s0], s1  }
0x63: {  	s1 =	ssub.s32 @!p0 $0x0, s1;
	[sflag:s0] =	ssyncset.done @!p0 $0x0  }
0x64: {  	[sflag:s0] =	ssyncadd.s32 @!p0 s1  }
0x65: {  	[bflag:$0x3] =	sbarrier.arrive $0xFFFF  }
0x66: {  	_ =	shalt  }

</sc_bundles>
